<compile_context>
chip_gen: v7x
topology: tpu7x:2x2x1
jax: 0.10.2.dev20260603
libtpu: 0.0.44.dev20260713+nightly
codegen_flags: <defaults>
</compile_context>

<pallas_src>
import functools

import jax
import jax.numpy as jnp
from jax import lax
from jax.experimental import pallas as pl
from jax.experimental.pallas import tpu as pltpu
from jax.experimental.pallas import tpu_sc as plsc

_D = 64
_L = 16
_W = 128

_mesh = plsc.VectorSubcoreMesh(
    core_axis_name="c", subcore_axis_name="s", num_cores=1)


def _bcast_lane(vec, lane):
    return vec.at[jnp.full((_L,), lane, jnp.int32)].get(
        mode="promise_in_bounds")


@functools.partial(
    pl.kernel,
    mesh=_mesh,
    out_type=jax.ShapeDtypeStruct((2 * _L,), jnp.float32),
    scratch_types=[
        pltpu.VMEM((_L,), jnp.int32),
        pltpu.VMEM((_L,), jnp.int32),
        pltpu.VMEM((_D, _W), jnp.float32),
        pltpu.VMEM((_D, _W), jnp.float32),
        pltpu.VMEM((1, _D * _D), jnp.float32),
        pltpu.VMEM((_D // _L, _L), jnp.float32),
        pltpu.VMEM((_L,), jnp.float32),
        pltpu.SemaphoreType.DMA,
        pltpu.SemaphoreType.DMA,
        pltpu.SemaphoreType.DMA,
    ],
)
def _sc_scores(idx_hbm, et_hbm, r_hbm, out_hbm,
               idx_v, pidx_v, blk_s, blk_o, r_row, obuf, out_v,
               sem_s, sem_o, sem_r):
    t = lax.axis_index("s")

    @pl.when(t < 2)
    def _():
        pltpu.sync_copy(idx_hbm, idx_v.at[pl.ds(0, 6)])
        row = idx_v[...]
        is0 = t == 0
        o = jnp.where(is0, row[1], row[4])
        o_col = pl.multiple_of((o // _W) * _W, _W)
        cp_o = pltpu.async_copy(et_hbm.at[:, pl.ds(o_col, _W)], blk_o, sem_o)
        s = jnp.where(is0, row[0], row[3])
        s_col = pl.multiple_of((s // _W) * _W, _W)
        cp_s = pltpu.async_copy(et_hbm.at[:, pl.ds(s_col, _W)], blk_s, sem_s)
        pidx_v[...] = jnp.where(
            is0,
            _bcast_lane(row, jnp.int32(2)),
            _bcast_lane(row, jnp.int32(5)))
        cp_r = pltpu.async_copy(r_hbm.at[pidx_v.at[pl.ds(0, 1)]], r_row, sem_r)
        cp_o.wait()

        s_sub = s - s_col
        o_sub = o - o_col
        s_base = pl.multiple_of((s_sub // _L) * _L, _L)
        o_base = pl.multiple_of((o_sub // _L) * _L, _L)
        s_lane = s_sub - s_base
        o_lane = o_sub - o_base

        lanes = lax.iota(jnp.int32, _L)

        zero = jnp.zeros((_L,), jnp.float32)
        for k in range(_D // _L):
            obuf[k, :] = zero

        def o_body(j, carry):
            r = blk_o[j, pl.ds(o_base, _L)]
            b = _bcast_lane(r, o_lane)
            plsc.addupdate(
                obuf.at[j // _L], jnp.where(lanes == j % _L, b, 0.0))
            return carry

        lax.fori_loop(0, _D, o_body, 0)
        o_vecs = [obuf[k, :] for k in range(_D // _L)]

        cp_s.wait()
        cp_r.wait()

        def fma_body(i, accs):
            s_i = _bcast_lane(blk_s[i, pl.ds(s_base, _L)], s_lane)
            return tuple(
                accs[k] + s_i * r_row[0, pl.ds(i * _D + k * _L, _L)] * o_vecs[k]
                for k in range(_D // _L))

        acc = lax.fori_loop(
            0, _D, fma_body,
            tuple(jnp.zeros((_L,), jnp.float32) for _ in range(_D // _L)))
        total = (acc[0] + acc[1]) + (acc[2] + acc[3])
        for step in (8, 4, 2, 1):
            total = total + total.at[lanes ^ step].get(
                mode="promise_in_bounds")
        out_v[...] = total
        pltpu.sync_copy(out_v, out_hbm.at[pl.ds(t * _L, _L)])


def kernel(x, E, R):
    return _sc_scores(x.reshape(6).astype(jnp.int32), E.T, R)[::_L]

# --- scband reference (transcript-rebuilt; emitter-appended) ---
"""Pipeline reference for scband-holographic-layer2-11244224381438 (READ-ONLY COPY).

The authoritative reference and input builder live on the scoring server;
editing this copy changes nothing except your own understanding.
"""

import jax, jax.numpy as jnp
import numpy as np

E_NUM = 1000000
R_NUM = 1000
D = 64

def setup_inputs(seed: int = 0) -> dict:
    key = jax.random.key(seed)
    k1, k2, k3 = jax.random.split(key, 3)
    # triple indices: x[0,0] = positive (s, o, p), x[0,1] = negative (s, o, p)
    # fill_max=1000 keeps indices valid for both E (1e6 rows) and R (1000 rows)
    x = jax.random.randint(k1, (1, 2, 3), 0, 1000)
    # learned parameters (glorot-normal-ish init)
    E = jax.random.normal(k2, (E_NUM, D), dtype=jnp.float32) * (1.0 / np.sqrt(D))
    R = jax.random.normal(k3, (R_NUM, D * D), dtype=jnp.float32) * 0.02
    return {"x": x, "E": E, "R": R}

def reference(x, E, R):
    xi = x.astype(jnp.int32)
    pos = xi[0, 0]
    neg = xi[0, 1]

    def eta(s, o, p):
        s2v = jnp.take(E, s, axis=0)          # gather entity embedding [d]
        o2v = jnp.take(E, o, axis=0)          # gather entity embedding [d]
        r2v = jnp.take(R, p, axis=0)          # gather relation vector [d*d]
        ccorr = jnp.outer(s2v, o2v).reshape(-1)  # outer product flattened [d*d]
        return jnp.dot(r2v, ccorr)            # scalar score

    pos_eta = eta(pos[0], pos[1], pos[2])
    neg_eta = eta(neg[0], neg[1], neg[2])
    return jnp.stack([pos_eta, neg_eta])

if __name__ == "__main__":
    import jax
    _d = setup_inputs()
    print(jax.jit(kernel)(*tuple(_d.values())))

</pallas_src>

<mosaic_0001>
#map = affine_map<(d0, d1) -> (0)>
#map1 = affine_map<(d0, d1) -> (0, 0)>
module attributes {stable_mosaic.version = 14 : i64} {
  func.func @_sc_scores(%arg0: i32, %arg1: i32, %arg2: memref<6xi32, #tpu.memory_space<hbm>>, %arg3: memref<64x1000000xf32, #tpu.memory_space<hbm>>, %arg4: memref<1000x4096xf32, #tpu.memory_space<hbm>>, %arg5: memref<32xf32, #tpu.memory_space<hbm>>, %arg6: memref<16xi32, #tpu.memory_space<vmem>>, %arg7: memref<16xi32, #tpu.memory_space<vmem>>, %arg8: memref<64x128xf32, #tpu.memory_space<vmem>>, %arg9: memref<64x128xf32, #tpu.memory_space<vmem>>, %arg10: memref<1x4096xf32, #tpu.memory_space<vmem>>, %arg11: memref<4x16xf32, #tpu.memory_space<vmem>>, %arg12: memref<16xf32, #tpu.memory_space<vmem>>, %arg13: memref<!tpu.dma_semaphore, #tpu.memory_space<semaphore_mem>>, %arg14: memref<!tpu.dma_semaphore, #tpu.memory_space<semaphore_mem>>, %arg15: memref<!tpu.dma_semaphore, #tpu.memory_space<semaphore_mem>>) attributes {dimension_semantics = [#tpu.dimension_semantics<core_parallel>, #tpu.dimension_semantics<subcore_parallel>], iteration_bounds = array<i64: 1, 16>, scalar_prefetch = 0 : i64, scratch_operands = 10 : i64, tpu.core_type = #tpu.core_type<sc_vector_subcore>, window_params = [{transform_indices = #map}, {transform_indices = #map1}, {transform_indices = #map1}, {transform_indices = #map}]} {
    %lt3A = arith.constant 2 : i32
    %lt3A_0 = arith.cmpi slt, %arg1, %lt3A : i32
    %convert_element_type3A = arith.extui %lt3A_0 : i1 to i32
    %cond3A = arith.constant 0 : i32
    %cond3A_1 = arith.cmpi ne, %convert_element_type3A, %cond3A : i32
    scf.if %cond3A_1 {
      "tpu.region"() ({
        %run_scoped3A = tpu.sem_alloc : memref<!tpu.dma_semaphore, #tpu.memory_space<semaphore_mem>>
        %dma_start3A_293 = arith.constant 0 : i32
        %dma_start3A_294 = tpu.memref_slice %arg6[%dma_start3A_293] : memref<16xi32, #tpu.memory_space<vmem>> -> memref<6xi32, #tpu.memory_space<vmem>>
        %dma_start3A_295 = arith.constant 0 : i32
        %dma_start3A_296 = tpu.memref_slice %arg6[%dma_start3A_295] : memref<16xi32, #tpu.memory_space<vmem>> -> memref<6xi32, #tpu.memory_space<vmem>>
        tpu.enqueue_dma source(%arg2 : memref<6xi32, #tpu.memory_space<hbm>>) target(%dma_start3A_296 : memref<6xi32, #tpu.memory_space<vmem>>) target_semaphore(%run_scoped3A : memref<!tpu.dma_semaphore, #tpu.memory_space<semaphore_mem>>)
        %dma_wait3A_297 = arith.constant 0 : i32
        %dma_wait3A_298 = tpu.memref_slice %arg6[%dma_wait3A_297] : memref<16xi32, #tpu.memory_space<vmem>> -> memref<6xi32, #tpu.memory_space<vmem>>
        %dma_wait3A_299 = arith.constant 0 : i32
        %dma_wait3A_300 = tpu.memref_slice %arg6[%dma_wait3A_299] : memref<16xi32, #tpu.memory_space<vmem>> -> memref<6xi32, #tpu.memory_space<vmem>>
        tpu.wait_dma2 semaphore(%run_scoped3A : memref<!tpu.dma_semaphore, #tpu.memory_space<semaphore_mem>>) src(%arg2 : memref<6xi32, #tpu.memory_space<hbm>>) dst(%dma_wait3A_300 : memref<6xi32, #tpu.memory_space<vmem>>)
        tpu.yield
      }) : () -> ()
      %get3A = arith.constant 0 : index
      %get3A_2 = tpu.vector_load %arg6[%get3A] {strides = array<i32>} : memref<16xi32, #tpu.memory_space<vmem>>, vector<16xi32>,
      %get3A_3 = vector.shape_cast %get3A_2 : vector<16xi32> to vector<16xi32>
      %eq3A = arith.constant 0 : i32
      %eq3A_4 = arith.cmpi eq, %arg1, %eq3A : i32
      %slice3A = vector.extract_strided_slice %get3A_3 {offsets = [1], sizes = [1], strides = [1]} : vector<16xi32> to vector<1xi32>
      %squeeze3A = vector.extract %slice3A[0] : i32 from vector<1xi32>
      %slice3A_5 = vector.extract_strided_slice %get3A_3 {offsets = [4], sizes = [1], strides = [1]} : vector<16xi32> to vector<1xi32>
      %squeeze3A_6 = vector.extract %slice3A_5[0] : i32 from vector<1xi32>
      %select_n3A = arith.select %eq3A_4, %squeeze3A, %squeeze3A_6 : i32
      %jit3A = arith.constant 128 : i32
      %div3A = arith.divsi %select_n3A, %jit3A : i32
      %sign3A = arith.constant 0 : i32
      %sign3A_7 = arith.cmpi sgt, %select_n3A, %sign3A : i32
      %sign3A_8 = arith.extui %sign3A_7 : i1 to i32
      %sign3A_9 = arith.constant 0 : i32
      %sign3A_10 = arith.cmpi slt, %select_n3A, %sign3A_9 : i32
      %sign3A_11 = arith.extui %sign3A_10 : i1 to i32
      %sign3A_12 = arith.subi %sign3A_8, %sign3A_11 : i32
      %sign3A_13 = arith.constant 0 : i32
      %sign3A_14 = arith.cmpi sgt, %jit3A, %sign3A_13 : i32
      %sign3A_15 = arith.extui %sign3A_14 : i1 to i32
      %sign3A_16 = arith.constant 0 : i32
      %sign3A_17 = arith.cmpi slt, %jit3A, %sign3A_16 : i32
      %sign3A_18 = arith.extui %sign3A_17 : i1 to i32
      %sign3A_19 = arith.subi %sign3A_15, %sign3A_18 : i32
      %ne3A = arith.cmpi ne, %sign3A_12, %sign3A_19 : i32
      %rem3A = arith.remsi %select_n3A, %jit3A : i32
      %ne3A_20 = arith.constant 0 : i32
      %ne3A_21 = arith.cmpi ne, %rem3A, %ne3A_20 : i32
      %and3A = arith.andi %ne3A, %ne3A_21 : i1
      %sub3A = arith.constant 1 : i32
      %sub3A_22 = arith.subi %div3A, %sub3A : i32
      %select_n3A_23 = arith.select %and3A, %sub3A_22, %div3A : i32
      %mul3A = arith.constant 128 : i32
      %mul3A_24 = arith.muli %select_n3A_23, %mul3A : i32
      %multiple_of3A = tpu.assume_multiple %mul3A_24, 128 : i32
      %dma_start3A = arith.constant 0 : i32
      %dma_start3A_25 = tpu.memref_slice %arg3[%dma_start3A, %multiple_of3A] : memref<64x1000000xf32, #tpu.memory_space<hbm>> -> memref<64x128xf32, #tpu.memory_space<hbm>>
      %dma_start3A_26 = arith.constant 0 : i32
      %dma_start3A_27 = tpu.memref_slice %arg3[%dma_start3A_26, %multiple_of3A] : memref<64x1000000xf32, #tpu.memory_space<hbm>> -> memref<64x128xf32, #tpu.memory_space<hbm>>
      tpu.enqueue_dma source(%dma_start3A_27 : memref<64x128xf32, #tpu.memory_space<hbm>>) target(%arg9 : memref<64x128xf32, #tpu.memory_space<vmem>>) target_semaphore(%arg14 : memref<!tpu.dma_semaphore, #tpu.memory_space<semaphore_mem>>)
      %slice3A_28 = vector.extract_strided_slice %get3A_3 {offsets = [0], sizes = [1], strides = [1]} : vector<16xi32> to vector<1xi32>
      %squeeze3A_29 = vector.extract %slice3A_28[0] : i32 from vector<1xi32>
      %slice3A_30 = vector.extract_strided_slice %get3A_3 {offsets = [3], sizes = [1], strides = [1]} : vector<16xi32> to vector<1xi32>
      %squeeze3A_31 = vector.extract %slice3A_30[0] : i32 from vector<1xi32>
      %select_n3A_32 = arith.select %eq3A_4, %squeeze3A_29, %squeeze3A_31 : i32
      %jit3A_33 = arith.constant 128 : i32
      %div3A_34 = arith.divsi %select_n3A_32, %jit3A_33 : i32
      %sign3A_35 = arith.constant 0 : i32
      %sign3A_36 = arith.cmpi sgt, %select_n3A_32, %sign3A_35 : i32
      %sign3A_37 = arith.extui %sign3A_36 : i1 to i32
      %sign3A_38 = arith.constant 0 : i32
      %sign3A_39 = arith.cmpi slt, %select_n3A_32, %sign3A_38 : i32
      %sign3A_40 = arith.extui %sign3A_39 : i1 to i32
      %sign3A_41 = arith.subi %sign3A_37, %sign3A_40 : i32
      %sign3A_42 = arith.constant 0 : i32
      %sign3A_43 = arith.cmpi sgt, %jit3A_33, %sign3A_42 : i32
      %sign3A_44 = arith.extui %sign3A_43 : i1 to i32
      %sign3A_45 = arith.constant 0 : i32
      %sign3A_46 = arith.cmpi slt, %jit3A_33, %sign3A_45 : i32
      %sign3A_47 = arith.extui %sign3A_46 : i1 to i32
      %sign3A_48 = arith.subi %sign3A_44, %sign3A_47 : i32
      %ne3A_49 = arith.cmpi ne, %sign3A_41, %sign3A_48 : i32
      %rem3A_50 = arith.remsi %select_n3A_32, %jit3A_33 : i32
      %ne3A_51 = arith.constant 0 : i32
      %ne3A_52 = arith.cmpi ne, %rem3A_50, %ne3A_51 : i32
      %and3A_53 = arith.andi %ne3A_49, %ne3A_52 : i1
      %sub3A_54 = arith.constant 1 : i32
      %sub3A_55 = arith.subi %div3A_34, %sub3A_54 : i32
      %select_n3A_56 = arith.select %and3A_53, %sub3A_55, %div3A_34 : i32
      %mul3A_57 = arith.constant 128 : i32
      %mul3A_58 = arith.muli %select_n3A_56, %mul3A_57 : i32
      %multiple_of3A_59 = tpu.assume_multiple %mul3A_58, 128 : i32
      %dma_start3A_60 = arith.constant 0 : i32
      %dma_start3A_61 = tpu.memref_slice %arg3[%dma_start3A_60, %multiple_of3A_59] : memref<64x1000000xf32, #tpu.memory_space<hbm>> -> memref<64x128xf32, #tpu.memory_space<hbm>>
      %dma_start3A_62 = arith.constant 0 : i32
      %dma_start3A_63 = tpu.memref_slice %arg3[%dma_start3A_62, %multiple_of3A_59] : memref<64x1000000xf32, #tpu.memory_space<hbm>> -> memref<64x128xf32, #tpu.memory_space<hbm>>
      tpu.enqueue_dma source(%dma_start3A_63 : memref<64x128xf32, #tpu.memory_space<hbm>>) target(%arg8 : memref<64x128xf32, #tpu.memory_space<vmem>>) target_semaphore(%arg13 : memref<!tpu.dma_semaphore, #tpu.memory_space<semaphore_mem>>)
      %broadcast_in_dim3A = arith.constant 2 : i32
      %broadcast_in_dim3A_64 = vector.broadcast %broadcast_in_dim3A : i32 to vector<16xi32>
      %lt3A_65 = arith.constant 0 : i32
      %lt3A_66 = vector.broadcast %lt3A_65 : i32 to vector<16xi32>
      %lt3A_67 = arith.cmpi slt, %broadcast_in_dim3A_64, %lt3A_66 : vector<16xi32>
      %add3A = arith.constant 16 : i32
      %add3A_68 = vector.broadcast %add3A : i32 to vector<16xi32>
      %add3A_69 = arith.addi %broadcast_in_dim3A_64, %add3A_68 : vector<16xi32>
      %select_n3A_70 = arith.select %lt3A_67, %add3A_69, %broadcast_in_dim3A_64 : vector<16xi1>, vector<16xi32>
      %broadcast_in_dim3A_71 = vector.shape_cast %select_n3A_70 : vector<16xi32> to vector<16x1xi32>
      %gather3A = vector.shape_cast %broadcast_in_dim3A_71 : vector<16x1xi32> to vector<16xi32>
      %gather3A_72 = tpu.dynamic_gather %get3A_3[%gather3A] in [0] : vector<16xi32>, vector<16xi32> -> vector<16xi32>
      %broadcast_in_dim3A_73 = arith.constant 5 : i32
      %broadcast_in_dim3A_74 = vector.broadcast %broadcast_in_dim3A_73 : i32 to vector<16xi32>
      %lt3A_75 = arith.constant 0 : i32
      %lt3A_76 = vector.broadcast %lt3A_75 : i32 to vector<16xi32>
      %lt3A_77 = arith.cmpi slt, %broadcast_in_dim3A_74, %lt3A_76 : vector<16xi32>
      %add3A_78 = arith.constant 16 : i32
      %add3A_79 = vector.broadcast %add3A_78 : i32 to vector<16xi32>
      %add3A_80 = arith.addi %broadcast_in_dim3A_74, %add3A_79 : vector<16xi32>
      %select_n3A_81 = arith.select %lt3A_77, %add3A_80, %broadcast_in_dim3A_74 : vector<16xi1>, vector<16xi32>
      %broadcast_in_dim3A_82 = vector.shape_cast %select_n3A_81 : vector<16xi32> to vector<16x1xi32>
      %gather3A_83 = vector.shape_cast %broadcast_in_dim3A_82 : vector<16x1xi32> to vector<16xi32>
      %gather3A_84 = tpu.dynamic_gather %get3A_3[%gather3A_83] in [0] : vector<16xi32>, vector<16xi32> -> vector<16xi32>
      %select_n3A_85 = arith.select %eq3A_4, %gather3A_72, %gather3A_84 : vector<16xi32>
      %swap3A = arith.constant 0 : index
      %swap3A_86 = tpu.vector_load %arg7[%swap3A] {strides = array<i32>} : memref<16xi32, #tpu.memory_space<vmem>>, vector<16xi32>,
      %swap3A_87 = vector.shape_cast %swap3A_86 : vector<16xi32> to vector<16xi32>
      %swap3A_88 = vector.shape_cast %select_n3A_85 : vector<16xi32> to vector<16xi32>
      tpu.vector_store %arg7[%swap3A], %swap3A_88 {strides = array<i32>} : memref<16xi32, #tpu.memory_space<vmem>>, vector<16xi32>,
      %dma_start3A_89 = arith.constant 0 : i32
      %dma_start3A_90 = tpu.memref_slice %arg7[%dma_start3A_89] : memref<16xi32, #tpu.memory_space<vmem>> -> memref<1xi32, #tpu.memory_space<vmem>>
      %dma_start3A_91 = arith.constant 0 : i32
      %dma_start3A_92 = arith.constant 0 : i32
      %dma_start3A_93 = tpu.memref_slice %arg4[%dma_start3A_91, %dma_start3A_92] : memref<1000x4096xf32, #tpu.memory_space<hbm>> -> memref<1000x4096xf32, #tpu.memory_space<hbm>>
      tpu.enqueue_indirect_dma source(%dma_start3A_93 : memref<1000x4096xf32, #tpu.memory_space<hbm>>) target(%arg10 : memref<1x4096xf32, #tpu.memory_space<vmem>>) offsets(%dma_start3A_90 : memref<1xi32, #tpu.memory_space<vmem>>) semaphore(%arg15 : memref<!tpu.dma_semaphore, #tpu.memory_space<semaphore_mem>>)
      %dma_wait3A = arith.constant 0 : i32
      %dma_wait3A_94 = tpu.memref_slice %arg3[%dma_wait3A, %multiple_of3A] : memref<64x1000000xf32, #tpu.memory_space<hbm>> -> memref<64x128xf32, #tpu.memory_space<hbm>>
      %dma_wait3A_95 = arith.constant 0 : i32
      %dma_wait3A_96 = tpu.memref_slice %arg3[%dma_wait3A_95, %multiple_of3A] : memref<64x1000000xf32, #tpu.memory_space<hbm>> -> memref<64x128xf32, #tpu.memory_space<hbm>>
      tpu.wait_dma2 semaphore(%arg14 : memref<!tpu.dma_semaphore, #tpu.memory_space<semaphore_mem>>) src(%dma_wait3A_96 : memref<64x128xf32, #tpu.memory_space<hbm>>) dst(%arg9 : memref<64x128xf32, #tpu.memory_space<vmem>>)
      %sub3A_97 = arith.subi %select_n3A_32, %multiple_of3A_59 : i32
      %sub3A_98 = arith.subi %select_n3A, %multiple_of3A : i32
      %jit3A_99 = arith.constant 16 : i32
      %div3A_100 = arith.divsi %sub3A_97, %jit3A_99 : i32
      %sign3A_101 = arith.constant 0 : i32
      %sign3A_102 = arith.cmpi sgt, %sub3A_97, %sign3A_101 : i32
      %sign3A_103 = arith.extui %sign3A_102 : i1 to i32
      %sign3A_104 = arith.constant 0 : i32
      %sign3A_105 = arith.cmpi slt, %sub3A_97, %sign3A_104 : i32
      %sign3A_106 = arith.extui %sign3A_105 : i1 to i32
      %sign3A_107 = arith.subi %sign3A_103, %sign3A_106 : i32
      %sign3A_108 = arith.constant 0 : i32
      %sign3A_109 = arith.cmpi sgt, %jit3A_99, %sign3A_108 : i32
      %sign3A_110 = arith.extui %sign3A_109 : i1 to i32
      %sign3A_111 = arith.constant 0 : i32
      %sign3A_112 = arith.cmpi slt, %jit3A_99, %sign3A_111 : i32
      %sign3A_113 = arith.extui %sign3A_112 : i1 to i32
      %sign3A_114 = arith.subi %sign3A_110, %sign3A_113 : i32
      %ne3A_115 = arith.cmpi ne, %sign3A_107, %sign3A_114 : i32
      %rem3A_116 = arith.remsi %sub3A_97, %jit3A_99 : i32
      %ne3A_117 = arith.constant 0 : i32
      %ne3A_118 = arith.cmpi ne, %rem3A_116, %ne3A_117 : i32
      %and3A_119 = arith.andi %ne3A_115, %ne3A_118 : i1
      %sub3A_120 = arith.constant 1 : i32
      %sub3A_121 = arith.subi %div3A_100, %sub3A_120 : i32
      %select_n3A_122 = arith.select %and3A_119, %sub3A_121, %div3A_100 : i32
      %mul3A_123 = arith.constant 16 : i32
      %mul3A_124 = arith.muli %select_n3A_122, %mul3A_123 : i32
      %multiple_of3A_125 = tpu.assume_multiple %mul3A_124, 16 : i32
      %jit3A_126 = arith.constant 16 : i32
      %div3A_127 = arith.divsi %sub3A_98, %jit3A_126 : i32
      %sign3A_128 = arith.constant 0 : i32
      %sign3A_129 = arith.cmpi sgt, %sub3A_98, %sign3A_128 : i32
      %sign3A_130 = arith.extui %sign3A_129 : i1 to i32
      %sign3A_131 = arith.constant 0 : i32
      %sign3A_132 = arith.cmpi slt, %sub3A_98, %sign3A_131 : i32
      %sign3A_133 = arith.extui %sign3A_132 : i1 to i32
      %sign3A_134 = arith.subi %sign3A_130, %sign3A_133 : i32
      %sign3A_135 = arith.constant 0 : i32
      %sign3A_136 = arith.cmpi sgt, %jit3A_126, %sign3A_135 : i32
      %sign3A_137 = arith.extui %sign3A_136 : i1 to i32
      %sign3A_138 = arith.constant 0 : i32
      %sign3A_139 = arith.cmpi slt, %jit3A_126, %sign3A_138 : i32
      %sign3A_140 = arith.extui %sign3A_139 : i1 to i32
      %sign3A_141 = arith.subi %sign3A_137, %sign3A_140 : i32
      %ne3A_142 = arith.cmpi ne, %sign3A_134, %sign3A_141 : i32
      %rem3A_143 = arith.remsi %sub3A_98, %jit3A_126 : i32
      %ne3A_144 = arith.constant 0 : i32
      %ne3A_145 = arith.cmpi ne, %rem3A_143, %ne3A_144 : i32
      %and3A_146 = arith.andi %ne3A_142, %ne3A_145 : i1
      %sub3A_147 = arith.constant 1 : i32
      %sub3A_148 = arith.subi %div3A_127, %sub3A_147 : i32
      %select_n3A_149 = arith.select %and3A_146, %sub3A_148, %div3A_127 : i32
      %mul3A_150 = arith.constant 16 : i32
      %mul3A_151 = arith.muli %select_n3A_149, %mul3A_150 : i32
      %multiple_of3A_152 = tpu.assume_multiple %mul3A_151, 16 : i32
      %sub3A_153 = arith.subi %sub3A_97, %multiple_of3A_125 : i32
      %sub3A_154 = arith.subi %sub3A_98, %multiple_of3A_152 : i32
      %iota3A = tpu.iota {dimensions = array<i32: 0>} : vector<16xi32>
      %broadcast_in_dim3A_155 = arith.constant 0.000000e+00 : f32
      %broadcast_in_dim3A_156 = vector.broadcast %broadcast_in_dim3A_155 : f32 to vector<16xf32>
      %swap3A_157 = arith.constant 0 : i32
      %swap3A_158 = arith.index_cast %swap3A_157 : i32 to index
      %swap3A_159 = arith.constant 0 : index
      %swap3A_160 = tpu.vector_load %arg11[%swap3A_158, %swap3A_159] {strides = array<i32>} : memref<4x16xf32, #tpu.memory_space<vmem>>, vector<1x16xf32>,
      %swap3A_161 = vector.shape_cast %swap3A_160 : vector<1x16xf32> to vector<16xf32>
      %swap3A_162 = vector.shape_cast %broadcast_in_dim3A_156 : vector<16xf32> to vector<1x16xf32>
      tpu.vector_store %arg11[%swap3A_158, %swap3A_159], %swap3A_162 {strides = array<i32>} : memref<4x16xf32, #tpu.memory_space<vmem>>, vector<1x16xf32>,
      %swap3A_163 = arith.constant 1 : i32
      %swap3A_164 = arith.index_cast %swap3A_163 : i32 to index
      %swap3A_165 = arith.constant 0 : index
      %swap3A_166 = tpu.vector_load %arg11[%swap3A_164, %swap3A_165] {strides = array<i32>} : memref<4x16xf32, #tpu.memory_space<vmem>>, vector<1x16xf32>,
      %swap3A_167 = vector.shape_cast %swap3A_166 : vector<1x16xf32> to vector<16xf32>
      %swap3A_168 = vector.shape_cast %broadcast_in_dim3A_156 : vector<16xf32> to vector<1x16xf32>
      tpu.vector_store %arg11[%swap3A_164, %swap3A_165], %swap3A_168 {strides = array<i32>} : memref<4x16xf32, #tpu.memory_space<vmem>>, vector<1x16xf32>,
      %swap3A_169 = arith.constant 2 : i32
      %swap3A_170 = arith.index_cast %swap3A_169 : i32 to index
      %swap3A_171 = arith.constant 0 : index
      %swap3A_172 = tpu.vector_load %arg11[%swap3A_170, %swap3A_171] {strides = array<i32>} : memref<4x16xf32, #tpu.memory_space<vmem>>, vector<1x16xf32>,
      %swap3A_173 = vector.shape_cast %swap3A_172 : vector<1x16xf32> to vector<16xf32>
      %swap3A_174 = vector.shape_cast %broadcast_in_dim3A_156 : vector<16xf32> to vector<1x16xf32>
      tpu.vector_store %arg11[%swap3A_170, %swap3A_171], %swap3A_174 {strides = array<i32>} : memref<4x16xf32, #tpu.memory_space<vmem>>, vector<1x16xf32>,
      %swap3A_175 = arith.constant 3 : i32
      %swap3A_176 = arith.index_cast %swap3A_175 : i32 to index
      %swap3A_177 = arith.constant 0 : index
      %swap3A_178 = tpu.vector_load %arg11[%swap3A_176, %swap3A_177] {strides = array<i32>} : memref<4x16xf32, #tpu.memory_space<vmem>>, vector<1x16xf32>,
      %swap3A_179 = vector.shape_cast %swap3A_178 : vector<1x16xf32> to vector<16xf32>
      %swap3A_180 = vector.shape_cast %broadcast_in_dim3A_156 : vector<16xf32> to vector<1x16xf32>
      tpu.vector_store %arg11[%swap3A_176, %swap3A_177], %swap3A_180 {strides = array<i32>} : memref<4x16xf32, #tpu.memory_space<vmem>>, vector<1x16xf32>,
      %scan3A = arith.constant 0 : i32
      %scan3A_181 = arith.constant 0 : i32
      %scan3A_182 = arith.constant 64 : i32
      %scan3A_183 = arith.addi %scan3A_181, %scan3A_182 : i32
      %scan3A_184 = arith.constant 1 : i32
      scf.for %scan3A_293 = %scan3A_181 to %scan3A_183 step %scan3A_184  : i32 {
        %get3A_294 = arith.index_cast %scan3A_293 : i32 to index
        %get3A_295 = arith.index_cast %multiple_of3A_152 : i32 to index
        %get3A_296 = tpu.vector_load %arg9[%get3A_294, %get3A_295] {strides = array<i32>} : memref<64x128xf32, #tpu.memory_space<vmem>>, vector<1x16xf32>,
        %get3A_297 = vector.shape_cast %get3A_296 : vector<1x16xf32> to vector<16xf32>
        %broadcast_in_dim3A_298 = vector.broadcast %sub3A_154 : i32 to vector<16xi32>
        %lt3A_299 = arith.constant 0 : i32
        %lt3A_300 = vector.broadcast %lt3A_299 : i32 to vector<16xi32>
        %lt3A_301 = arith.cmpi slt, %broadcast_in_dim3A_298, %lt3A_300 : vector<16xi32>
        %add3A_302 = arith.constant 16 : i32
        %add3A_303 = vector.broadcast %add3A_302 : i32 to vector<16xi32>
        %add3A_304 = arith.addi %broadcast_in_dim3A_298, %add3A_303 : vector<16xi32>
        %select_n3A_305 = arith.select %lt3A_301, %add3A_304, %broadcast_in_dim3A_298 : vector<16xi1>, vector<16xi32>
        %broadcast_in_dim3A_306 = vector.shape_cast %select_n3A_305 : vector<16xi32> to vector<16x1xi32>
        %gather3A_307 = vector.shape_cast %broadcast_in_dim3A_306 : vector<16x1xi32> to vector<16xi32>
        %gather3A_308 = tpu.dynamic_gather %get3A_297[%gather3A_307] in [0] : vector<16xf32>, vector<16xi32> -> vector<16xf32>
        %jit3A_309 = arith.constant 16 : i32
        %div3A_310 = arith.divsi %scan3A_293, %jit3A_309 : i32
        %sign3A_311 = arith.constant 0 : i32
        %sign3A_312 = arith.cmpi sgt, %scan3A_293, %sign3A_311 : i32
        %sign3A_313 = arith.extui %sign3A_312 : i1 to i32
        %sign3A_314 = arith.constant 0 : i32
        %sign3A_315 = arith.cmpi slt, %scan3A_293, %sign3A_314 : i32
        %sign3A_316 = arith.extui %sign3A_315 : i1 to i32
        %sign3A_317 = arith.subi %sign3A_313, %sign3A_316 : i32
        %sign3A_318 = arith.constant 0 : i32
        %sign3A_319 = arith.cmpi sgt, %jit3A_309, %sign3A_318 : i32
        %sign3A_320 = arith.extui %sign3A_319 : i1 to i32
        %sign3A_321 = arith.constant 0 : i32
        %sign3A_322 = arith.cmpi slt, %jit3A_309, %sign3A_321 : i32
        %sign3A_323 = arith.extui %sign3A_322 : i1 to i32
        %sign3A_324 = arith.subi %sign3A_320, %sign3A_323 : i32
        %ne3A_325 = arith.cmpi ne, %sign3A_317, %sign3A_324 : i32
        %rem3A_326 = arith.remsi %scan3A_293, %jit3A_309 : i32
        %ne3A_327 = arith.constant 0 : i32
        %ne3A_328 = arith.cmpi ne, %rem3A_326, %ne3A_327 : i32
        %and3A_329 = arith.andi %ne3A_325, %ne3A_328 : i1
        %sub3A_330 = arith.constant 1 : i32
        %sub3A_331 = arith.subi %div3A_310, %sub3A_330 : i32
        %select_n3A_332 = arith.select %and3A_329, %sub3A_331, %div3A_310 : i32
        %jit3A_333 = arith.constant 16 : i32
        %eq3A_334 = arith.constant 0 : i32
        %eq3A_335 = arith.cmpi eq, %jit3A_333, %eq3A_334 : i32
        %jit3A_336 = arith.constant 1 : i32
        %select_n3A_337 = arith.select %eq3A_335, %jit3A_336, %jit3A_333 : i32
        %rem3A_338 = arith.remsi %scan3A_293, %select_n3A_337 : i32
        %ne3A_339 = arith.constant 0 : i32
        %ne3A_340 = arith.cmpi ne, %rem3A_338, %ne3A_339 : i32
        %lt3A_341 = arith.constant 0 : i32
        %lt3A_342 = arith.cmpi slt, %rem3A_338, %lt3A_341 : i32
        %lt3A_343 = arith.constant 0 : i32
        %lt3A_344 = arith.cmpi slt, %select_n3A_337, %lt3A_343 : i32
        %ne3A_345 = arith.xori %lt3A_342, %lt3A_344 : i1
        %and3A_346 = arith.andi %ne3A_345, %ne3A_340 : i1
        %add3A_347 = arith.addi %rem3A_338, %select_n3A_337 : i32
        %select_n3A_348 = arith.select %and3A_346, %add3A_347, %rem3A_338 : i32
        %eq3A_349 = vector.broadcast %select_n3A_348 : i32 to vector<16xi32>
        %eq3A_350 = arith.cmpi eq, %iota3A, %eq3A_349 : vector<16xi32>
        %jit3A_351 = arith.constant 0.000000e+00 : f32
        %broadcast_in_dim3A_352 = vector.broadcast %jit3A_351 : f32 to vector<16xf32>
        %select_n3A_353 = arith.select %eq3A_350, %gather3A_308, %broadcast_in_dim3A_352 : vector<16xi1>, vector<16xf32>
        %swap3A_354 = arith.index_cast %select_n3A_332 : i32 to index
        %swap3A_355 = arith.constant 0 : index
        %swap3A_356 = tpu.vector_load %arg11[%swap3A_354, %swap3A_355] {strides = array<i32>} : memref<4x16xf32, #tpu.memory_space<vmem>>, vector<1x16xf32>,
        %swap3A_357 = vector.shape_cast %swap3A_356 : vector<1x16xf32> to vector<16xf32>
        %swap3A_358 = vector.shape_cast %select_n3A_353 : vector<16xf32> to vector<1x16xf32>
        tpu.vector_store %arg11[%swap3A_354, %swap3A_355], %swap3A_358 {add = true, strides = array<i32>} : memref<4x16xf32, #tpu.memory_space<vmem>>, vector<1x16xf32>,
      }
      %scan3A_185 = arith.constant 64 : i32
      %get3A_186 = arith.constant 0 : i32
      %get3A_187 = arith.index_cast %get3A_186 : i32 to index
      %get3A_188 = arith.constant 0 : index
      %get3A_189 = tpu.vector_load %arg11[%get3A_187, %get3A_188] {strides = array<i32>} : memref<4x16xf32, #tpu.memory_space<vmem>>, vector<1x16xf32>,
      %get3A_190 = vector.shape_cast %get3A_189 : vector<1x16xf32> to vector<16xf32>
      %get3A_191 = arith.constant 1 : i32
      %get3A_192 = arith.index_cast %get3A_191 : i32 to index
      %get3A_193 = arith.constant 0 : index
      %get3A_194 = tpu.vector_load %arg11[%get3A_192, %get3A_193] {strides = array<i32>} : memref<4x16xf32, #tpu.memory_space<vmem>>, vector<1x16xf32>,
      %get3A_195 = vector.shape_cast %get3A_194 : vector<1x16xf32> to vector<16xf32>
      %get3A_196 = arith.constant 2 : i32
      %get3A_197 = arith.index_cast %get3A_196 : i32 to index
      %get3A_198 = arith.constant 0 : index
      %get3A_199 = tpu.vector_load %arg11[%get3A_197, %get3A_198] {strides = array<i32>} : memref<4x16xf32, #tpu.memory_space<vmem>>, vector<1x16xf32>,
      %get3A_200 = vector.shape_cast %get3A_199 : vector<1x16xf32> to vector<16xf32>
      %get3A_201 = arith.constant 3 : i32
      %get3A_202 = arith.index_cast %get3A_201 : i32 to index
      %get3A_203 = arith.constant 0 : index
      %get3A_204 = tpu.vector_load %arg11[%get3A_202, %get3A_203] {strides = array<i32>} : memref<4x16xf32, #tpu.memory_space<vmem>>, vector<1x16xf32>,
      %get3A_205 = vector.shape_cast %get3A_204 : vector<1x16xf32> to vector<16xf32>
      %dma_wait3A_206 = arith.constant 0 : i32
      %dma_wait3A_207 = tpu.memref_slice %arg3[%dma_wait3A_206, %multiple_of3A_59] : memref<64x1000000xf32, #tpu.memory_space<hbm>> -> memref<64x128xf32, #tpu.memory_space<hbm>>
      %dma_wait3A_208 = arith.constant 0 : i32
      %dma_wait3A_209 = tpu.memref_slice %arg3[%dma_wait3A_208, %multiple_of3A_59] : memref<64x1000000xf32, #tpu.memory_space<hbm>> -> memref<64x128xf32, #tpu.memory_space<hbm>>
      tpu.wait_dma2 semaphore(%arg13 : memref<!tpu.dma_semaphore, #tpu.memory_space<semaphore_mem>>) src(%dma_wait3A_209 : memref<64x128xf32, #tpu.memory_space<hbm>>) dst(%arg8 : memref<64x128xf32, #tpu.memory_space<vmem>>)
      %dma_wait3A_210 = arith.constant 0 : i32
      %dma_wait3A_211 = tpu.memref_slice %arg7[%dma_wait3A_210] : memref<16xi32, #tpu.memory_space<vmem>> -> memref<1xi32, #tpu.memory_space<vmem>>
      %dma_wait3A_212 = arith.constant 0 : i32
      %dma_wait3A_213 = arith.constant 0 : i32
      %dma_wait3A_214 = tpu.memref_slice %arg4[%dma_wait3A_212, %dma_wait3A_213] : memref<1000x4096xf32, #tpu.memory_space<hbm>> -> memref<1000x4096xf32, #tpu.memory_space<hbm>>
      tpu.wait_indirect_dma semaphore(%arg15 : memref<!tpu.dma_semaphore, #tpu.memory_space<semaphore_mem>>) src(%dma_wait3A_214 : memref<1000x4096xf32, #tpu.memory_space<hbm>>) dst(%arg10 : memref<1x4096xf32, #tpu.memory_space<vmem>>)
      %broadcast_in_dim3A_215 = arith.constant 0.000000e+00 : f32
      %broadcast_in_dim3A_216 = vector.broadcast %broadcast_in_dim3A_215 : f32 to vector<16xf32>
      %broadcast_in_dim3A_217 = arith.constant 0.000000e+00 : f32
      %broadcast_in_dim3A_218 = vector.broadcast %broadcast_in_dim3A_217 : f32 to vector<16xf32>
      %broadcast_in_dim3A_219 = arith.constant 0.000000e+00 : f32
      %broadcast_in_dim3A_220 = vector.broadcast %broadcast_in_dim3A_219 : f32 to vector<16xf32>
      %broadcast_in_dim3A_221 = arith.constant 0.000000e+00 : f32
      %broadcast_in_dim3A_222 = vector.broadcast %broadcast_in_dim3A_221 : f32 to vector<16xf32>
      %scan3A_223 = arith.constant 0 : i32
      %scan3A_224 = arith.constant 64 : i32
      %scan3A_225 = arith.addi %scan3A_223, %scan3A_224 : i32
      %scan3A_226 = arith.constant 1 : i32
      %scan3A_227:4 = scf.for %scan3A_293 = %scan3A_223 to %scan3A_225 step %scan3A_226 iter_args(%scan3A_294 = %broadcast_in_dim3A_216, %scan3A_295 = %broadcast_in_dim3A_218, %scan3A_296 = %broadcast_in_dim3A_220, %scan3A_297 = %broadcast_in_dim3A_222) -> (vector<16xf32>, vector<16xf32>, vector<16xf32>, vector<16xf32>)  : i32 {
        %get3A_298 = arith.index_cast %scan3A_293 : i32 to index
        %get3A_299 = arith.index_cast %multiple_of3A_125 : i32 to index
        %get3A_300 = tpu.vector_load %arg8[%get3A_298, %get3A_299] {strides = array<i32>} : memref<64x128xf32, #tpu.memory_space<vmem>>, vector<1x16xf32>,
        %get3A_301 = vector.shape_cast %get3A_300 : vector<1x16xf32> to vector<16xf32>
        %broadcast_in_dim3A_302 = vector.broadcast %sub3A_153 : i32 to vector<16xi32>
        %lt3A_303 = arith.constant 0 : i32
        %lt3A_304 = vector.broadcast %lt3A_303 : i32 to vector<16xi32>
        %lt3A_305 = arith.cmpi slt, %broadcast_in_dim3A_302, %lt3A_304 : vector<16xi32>
        %add3A_306 = arith.constant 16 : i32
        %add3A_307 = vector.broadcast %add3A_306 : i32 to vector<16xi32>
        %add3A_308 = arith.addi %broadcast_in_dim3A_302, %add3A_307 : vector<16xi32>
        %select_n3A_309 = arith.select %lt3A_305, %add3A_308, %broadcast_in_dim3A_302 : vector<16xi1>, vector<16xi32>
        %broadcast_in_dim3A_310 = vector.shape_cast %select_n3A_309 : vector<16xi32> to vector<16x1xi32>
        %gather3A_311 = vector.shape_cast %broadcast_in_dim3A_310 : vector<16x1xi32> to vector<16xi32>
        %gather3A_312 = tpu.dynamic_gather %get3A_301[%gather3A_311] in [0] : vector<16xf32>, vector<16xi32> -> vector<16xf32>
        %mul3A_313 = arith.constant 64 : i32
        %mul3A_314 = arith.muli %scan3A_293, %mul3A_313 : i32
        %add3A_315 = arith.constant 0 : i32
        %add3A_316 = arith.addi %mul3A_314, %add3A_315 : i32
        %get3A_317 = arith.constant 0 : i32
        %get3A_318 = arith.index_cast %get3A_317 : i32 to index
        %get3A_319 = arith.index_cast %add3A_316 : i32 to index
        %get3A_320 = tpu.vector_load %arg10[%get3A_318, %get3A_319] {strides = array<i32>} : memref<1x4096xf32, #tpu.memory_space<vmem>>, vector<1x16xf32>,
        %get3A_321 = vector.shape_cast %get3A_320 : vector<1x16xf32> to vector<16xf32>
        %mul3A_322 = arith.mulf %gather3A_312, %get3A_321 : vector<16xf32>
        %mul3A_323 = arith.mulf %mul3A_322, %get3A_190 : vector<16xf32>
        %add3A_324 = arith.addf %scan3A_294, %mul3A_323 : vector<16xf32>
        %mul3A_325 = arith.constant 64 : i32
        %mul3A_326 = arith.muli %scan3A_293, %mul3A_325 : i32
        %add3A_327 = arith.constant 16 : i32
        %add3A_328 = arith.addi %mul3A_326, %add3A_327 : i32
        %get3A_329 = arith.constant 0 : i32
        %get3A_330 = arith.index_cast %get3A_329 : i32 to index
        %get3A_331 = arith.index_cast %add3A_328 : i32 to index
        %get3A_332 = tpu.vector_load %arg10[%get3A_330, %get3A_331] {strides = array<i32>} : memref<1x4096xf32, #tpu.memory_space<vmem>>, vector<1x16xf32>,
        %get3A_333 = vector.shape_cast %get3A_332 : vector<1x16xf32> to vector<16xf32>
        %mul3A_334 = arith.mulf %gather3A_312, %get3A_333 : vector<16xf32>
        %mul3A_335 = arith.mulf %mul3A_334, %get3A_195 : vector<16xf32>
        %add3A_336 = arith.addf %scan3A_295, %mul3A_335 : vector<16xf32>
        %mul3A_337 = arith.constant 64 : i32
        %mul3A_338 = arith.muli %scan3A_293, %mul3A_337 : i32
        %add3A_339 = arith.constant 32 : i32
        %add3A_340 = arith.addi %mul3A_338, %add3A_339 : i32
        %get3A_341 = arith.constant 0 : i32
        %get3A_342 = arith.index_cast %get3A_341 : i32 to index
        %get3A_343 = arith.index_cast %add3A_340 : i32 to index
        %get3A_344 = tpu.vector_load %arg10[%get3A_342, %get3A_343] {strides = array<i32>} : memref<1x4096xf32, #tpu.memory_space<vmem>>, vector<1x16xf32>,
        %get3A_345 = vector.shape_cast %get3A_344 : vector<1x16xf32> to vector<16xf32>
        %mul3A_346 = arith.mulf %gather3A_312, %get3A_345 : vector<16xf32>
        %mul3A_347 = arith.mulf %mul3A_346, %get3A_200 : vector<16xf32>
        %add3A_348 = arith.addf %scan3A_296, %mul3A_347 : vector<16xf32>
        %mul3A_349 = arith.constant 64 : i32
        %mul3A_350 = arith.muli %scan3A_293, %mul3A_349 : i32
        %add3A_351 = arith.constant 48 : i32
        %add3A_352 = arith.addi %mul3A_350, %add3A_351 : i32
        %get3A_353 = arith.constant 0 : i32
        %get3A_354 = arith.index_cast %get3A_353 : i32 to index
        %get3A_355 = arith.index_cast %add3A_352 : i32 to index
        %get3A_356 = tpu.vector_load %arg10[%get3A_354, %get3A_355] {strides = array<i32>} : memref<1x4096xf32, #tpu.memory_space<vmem>>, vector<1x16xf32>,
        %get3A_357 = vector.shape_cast %get3A_356 : vector<1x16xf32> to vector<16xf32>
        %mul3A_358 = arith.mulf %gather3A_312, %get3A_357 : vector<16xf32>
        %mul3A_359 = arith.mulf %mul3A_358, %get3A_205 : vector<16xf32>
        %add3A_360 = arith.addf %scan3A_297, %mul3A_359 : vector<16xf32>
        scf.yield %add3A_324, %add3A_336, %add3A_348, %add3A_360 : vector<16xf32>, vector<16xf32>, vector<16xf32>, vector<16xf32>
      }
      %scan3A_228 = arith.constant 64 : i32
      %add3A_229 = arith.addf %scan3A_227#0, %scan3A_227#1 : vector<16xf32>
      %add3A_230 = arith.addf %scan3A_227#2, %scan3A_227#3 : vector<16xf32>
      %add3A_231 = arith.addf %add3A_229, %add3A_230 : vector<16xf32>
      %xor3A = arith.constant 8 : i32
      %xor3A_232 = vector.broadcast %xor3A : i32 to vector<16xi32>
      %xor3A_233 = arith.xori %iota3A, %xor3A_232 : vector<16xi32>
      %lt3A_234 = arith.constant 0 : i32
      %lt3A_235 = vector.broadcast %lt3A_234 : i32 to vector<16xi32>
      %lt3A_236 = arith.cmpi slt, %xor3A_233, %lt3A_235 : vector<16xi32>
      %add3A_237 = arith.constant 16 : i32
      %add3A_238 = vector.broadcast %add3A_237 : i32 to vector<16xi32>
      %add3A_239 = arith.addi %xor3A_233, %add3A_238 : vector<16xi32>
      %select_n3A_240 = arith.select %lt3A_236, %add3A_239, %xor3A_233 : vector<16xi1>, vector<16xi32>
      %broadcast_in_dim3A_241 = vector.shape_cast %select_n3A_240 : vector<16xi32> to vector<16x1xi32>
      %gather3A_242 = vector.shape_cast %broadcast_in_dim3A_241 : vector<16x1xi32> to vector<16xi32>
      %gather3A_243 = tpu.dynamic_gather %add3A_231[%gather3A_242] in [0] : vector<16xf32>, vector<16xi32> -> vector<16xf32>
      %add3A_244 = arith.addf %add3A_231, %gather3A_243 : vector<16xf32>
      %xor3A_245 = arith.constant 4 : i32
      %xor3A_246 = vector.broadcast %xor3A_245 : i32 to vector<16xi32>
      %xor3A_247 = arith.xori %iota3A, %xor3A_246 : vector<16xi32>
      %lt3A_248 = arith.constant 0 : i32
      %lt3A_249 = vector.broadcast %lt3A_248 : i32 to vector<16xi32>
      %lt3A_250 = arith.cmpi slt, %xor3A_247, %lt3A_249 : vector<16xi32>
      %add3A_251 = arith.constant 16 : i32
      %add3A_252 = vector.broadcast %add3A_251 : i32 to vector<16xi32>
      %add3A_253 = arith.addi %xor3A_247, %add3A_252 : vector<16xi32>
      %select_n3A_254 = arith.select %lt3A_250, %add3A_253, %xor3A_247 : vector<16xi1>, vector<16xi32>
      %broadcast_in_dim3A_255 = vector.shape_cast %select_n3A_254 : vector<16xi32> to vector<16x1xi32>
      %gather3A_256 = vector.shape_cast %broadcast_in_dim3A_255 : vector<16x1xi32> to vector<16xi32>
      %gather3A_257 = tpu.dynamic_gather %add3A_244[%gather3A_256] in [0] : vector<16xf32>, vector<16xi32> -> vector<16xf32>
      %add3A_258 = arith.addf %add3A_244, %gather3A_257 : vector<16xf32>
      %xor3A_259 = arith.constant 2 : i32
      %xor3A_260 = vector.broadcast %xor3A_259 : i32 to vector<16xi32>
      %xor3A_261 = arith.xori %iota3A, %xor3A_260 : vector<16xi32>
      %lt3A_262 = arith.constant 0 : i32
      %lt3A_263 = vector.broadcast %lt3A_262 : i32 to vector<16xi32>
      %lt3A_264 = arith.cmpi slt, %xor3A_261, %lt3A_263 : vector<16xi32>
      %add3A_265 = arith.constant 16 : i32
      %add3A_266 = vector.broadcast %add3A_265 : i32 to vector<16xi32>
      %add3A_267 = arith.addi %xor3A_261, %add3A_266 : vector<16xi32>
      %select_n3A_268 = arith.select %lt3A_264, %add3A_267, %xor3A_261 : vector<16xi1>, vector<16xi32>
      %broadcast_in_dim3A_269 = vector.shape_cast %select_n3A_268 : vector<16xi32> to vector<16x1xi32>
      %gather3A_270 = vector.shape_cast %broadcast_in_dim3A_269 : vector<16x1xi32> to vector<16xi32>
      %gather3A_271 = tpu.dynamic_gather %add3A_258[%gather3A_270] in [0] : vector<16xf32>, vector<16xi32> -> vector<16xf32>
      %add3A_272 = arith.addf %add3A_258, %gather3A_271 : vector<16xf32>
      %xor3A_273 = arith.constant 1 : i32
      %xor3A_274 = vector.broadcast %xor3A_273 : i32 to vector<16xi32>
      %xor3A_275 = arith.xori %iota3A, %xor3A_274 : vector<16xi32>
      %lt3A_276 = arith.constant 0 : i32
      %lt3A_277 = vector.broadcast %lt3A_276 : i32 to vector<16xi32>
      %lt3A_278 = arith.cmpi slt, %xor3A_275, %lt3A_277 : vector<16xi32>
      %add3A_279 = arith.constant 16 : i32
      %add3A_280 = vector.broadcast %add3A_279 : i32 to vector<16xi32>
      %add3A_281 = arith.addi %xor3A_275, %add3A_280 : vector<16xi32>
      %select_n3A_282 = arith.select %lt3A_278, %add3A_281, %xor3A_275 : vector<16xi1>, vector<16xi32>
      %broadcast_in_dim3A_283 = vector.shape_cast %select_n3A_282 : vector<16xi32> to vector<16x1xi32>
      %gather3A_284 = vector.shape_cast %broadcast_in_dim3A_283 : vector<16x1xi32> to vector<16xi32>
      %gather3A_285 = tpu.dynamic_gather %add3A_272[%gather3A_284] in [0] : vector<16xf32>, vector<16xi32> -> vector<16xf32>
      %add3A_286 = arith.addf %add3A_272, %gather3A_285 : vector<16xf32>
      %swap3A_287 = arith.constant 0 : index
      %swap3A_288 = tpu.vector_load %arg12[%swap3A_287] {strides = array<i32>} : memref<16xf32, #tpu.memory_space<vmem>>, vector<16xf32>,
      %swap3A_289 = vector.shape_cast %swap3A_288 : vector<16xf32> to vector<16xf32>
      %swap3A_290 = vector.shape_cast %add3A_286 : vector<16xf32> to vector<16xf32>
      tpu.vector_store %arg12[%swap3A_287], %swap3A_290 {strides = array<i32>} : memref<16xf32, #tpu.memory_space<vmem>>, vector<16xf32>,
      %mul3A_291 = arith.constant 16 : i32
      %mul3A_292 = arith.muli %arg1, %mul3A_291 : i32
      "tpu.region"() ({
        %run_scoped3A = tpu.sem_alloc : memref<!tpu.dma_semaphore, #tpu.memory_space<semaphore_mem>>
        %dma_start3A_293 = tpu.memref_slice %arg5[%mul3A_292] : memref<32xf32, #tpu.memory_space<hbm>> -> memref<16xf32, #tpu.memory_space<hbm>>
        %dma_start3A_294 = tpu.memref_slice %arg5[%mul3A_292] : memref<32xf32, #tpu.memory_space<hbm>> -> memref<16xf32, #tpu.memory_space<hbm>>
        tpu.enqueue_dma source(%arg12 : memref<16xf32, #tpu.memory_space<vmem>>) target(%dma_start3A_294 : memref<16xf32, #tpu.memory_space<hbm>>) target_semaphore(%run_scoped3A : memref<!tpu.dma_semaphore, #tpu.memory_space<semaphore_mem>>)
        %dma_wait3A_295 = tpu.memref_slice %arg5[%mul3A_292] : memref<32xf32, #tpu.memory_space<hbm>> -> memref<16xf32, #tpu.memory_space<hbm>>
        %dma_wait3A_296 = tpu.memref_slice %arg5[%mul3A_292] : memref<32xf32, #tpu.memory_space<hbm>> -> memref<16xf32, #tpu.memory_space<hbm>>
        tpu.wait_dma2 semaphore(%run_scoped3A : memref<!tpu.dma_semaphore, #tpu.memory_space<semaphore_mem>>) src(%arg12 : memref<16xf32, #tpu.memory_space<vmem>>) dst(%dma_wait3A_296 : memref<16xf32, #tpu.memory_space<hbm>>)
        tpu.yield
      }) : () -> ()
    } else {
    }
    return
  }
}

</mosaic_0001>

<sc_bundles>
// kernel: kernel.3.cloned.1.call-start
scs
__scs_entry_jumppad:
0x0: {  	(pc) =	sbr.rel $0x88, $3  }
0x1: {  	(tag) =	ssettag $0x0;
	lr =	simm.s32 $0x1  }
0x2: {  	[smem:$0x3F9E] =	sst lr;
	_ =	strace $0xD0000000  }
0x3: {  	_ = 	snop  }
0x4: {  	_ = 	snop  }
0x5: {  	_ = 	snop  }
0x6: {  	_ = 	snop  }
0x7: {  	_ = 	snop  }
__scs_overlays_trampoline_lowered:
0x8: {  	[smem:$0x3FAD] =	sst s0  }
0x9: {  	[smem:$0x3FAE] =	sst s1  }
0xa: {  	[smem:$0x3FAF] =	sst s2  }
0xb: {  	[smem:$0x3FB0] =	sst s3  }
0xc: {  	[smem:$0x3FB1] =	sst s4  }
0xd: {  	[smem:$0x3FB2] =	sst s5  }
0xe: {  	[smem:$0x3FB3] =	sst s6  }
0xf: {  	[smem:$0x3FB4] =	sst s7  }
0x10: {  	[smem:$0x3FB5] =	sst s8  }
0x11: {  	[smem:$0x3FB6] =	sst s9;
	s0 =	simm.s32 @!p0 $0x0  }
0x12: {  	s1 =	sld [smem:$0x3F9C];
	s0 =	simm.s32 @p0 $0x1  }
0x13: {  	[smem:$0x3FB7] =	sst s0;
	s0 =	simm.s32 @!p1 $0x0  }
0x14: {  	s2 =	sld [smem:$0x3F9B];
	s0 =	simm.s32 @p1 $0x1  }
0x15: {  	[smem:$0x3FB8] =	sst s0;
	s0 =	simm.s32 @!p2 $0x0  }
0x16: {  	s3 =	sld [smem:$0x3FDB];
	s0 =	simm.s32 @p2 $0x1  }
0x17: {  	s4 =	simm.s32 $0x1BF5;
	[smem:$0x3FBA] =	sst s0  }
0x18: {  	s0 =	sld [smem:$0x3F9D];
	_ =	swait.ge [sflag:s4], $0x0  }
0x19: {  	s7 =	sld [smem:$0x3F9E]  }
0x1a: {  	s8 =	sadd.s32 $0xFFFFE003, lr  }
0x1b: {  	s9 =	sadd.s32 $0xFFFFFEF7, lr;
	s5 =	simm.s32 $0xFFFFFFFF;
	p2 =	slt.u32 s8, $0xFFFFF086  }
0x1c: {  	p1 =	slt.u32 s9, $0xF7A;
	s5 =	simm.s32 @!p2 $0x0  }
0x1d: {  	s5 =	simm.s32 @p1 $0x1;
	p0 =	seq.s32 s7, s2  }
0x1e: {  	s7 =	smul.u32 @!p0 $0xF7A, s2;
	p2 =	seq.s32 @!p0 s5, $0x0  }
0x1f: {  	s9 =	smul.u32 $0xF7A, s1;
	s8 =	simm.s32 @!p0 $0x1BF5;
	p2 =	por !p2, p0  }
0x20: {  	[sflag:s8] =	ssyncset.s32 @!p0 $0xFFFFF086;
	s6 =	sadd.s32 @!p0 s3, s7;
	s7 =	simm.s32 @!p0 $0x108  }
0x21: {  	s3 =	sadd.s32 s3, s9;
	s6 =	sadd.s32 @!p0 $0x88, s6;
	s7 =	simm.s32 @p2 $0x1082  }
0x22: {  	[simem:s7], [sflag:s8] =	dma.local @!p0 [hbm:s6], $0xF7A  }
0x23: {  	s9 =	sor.u32 $0xD0000000, s2;
	s6 =	simm.s32 $0x108;
	_ =	swait.ge @!p0 [sflag:s8], $0x0  }
0x24: {  	s3 =	sadd.s32 $0x88, s3;
	s6 =	simm.s32 @!p1 $0x1082;
	[sflag:s4] =	ssyncset.s32 $0xFFFFF086  }
0x25: {  	[simem:s6], [sflag:s4] =	dma.local [hbm:s3], $0xF7A  }
0x26: {  	[smem:$0x3F9E] =	sst s1;
	(tag) =	ssettag s2;
	_ =	strace s9  }
0x27: {  	s1 =	sld [smem:$0x3FAE]  }
0x28: {  	s2 =	sld [smem:$0x3FAF]  }
0x29: {  	s4 =	sld [smem:$0x3FB1]  }
0x2a: {  	p0 =	seq.s32 s5, $0x0;
	s5 =	sld [smem:$0x3FB2]  }
0x2b: {  	s6 =	sld [smem:$0x3FB3]  }
0x2c: {  	s7 =	sld [smem:$0x3FB4]  }
0x2d: {  	s3 =	simm.s32 $0x108;
	s8 =	sld [smem:$0x3FB5]  }
0x2e: {  	s3 =	simm.s32 @!p0 $0x1082;
	s9 =	sld [smem:$0x3FB6]  }
0x2f: {  	lr =	sadd.s32 s0, s3;
	s0 =	sld [smem:$0x3FAD]  }
0x30: {  	s3 =	sld [smem:$0x3FB0]  }
0x31: {  	[smem:$0x3FB9] =	sst s10  }
0x32: {  	s10 =	sld [smem:$0x3FB7];
	_ =	sdelay $0x3  }
0x33: {  	p0 =	seq.s32 s10, $0x1;
	s10 =	sld [smem:$0x3FB9];
	_ =	sdelay $0x3  }
0x34: {  	[smem:$0x3FB9] =	sst s10  }
0x35: {  	s10 =	sld [smem:$0x3FB8];
	_ =	sdelay $0x3  }
0x36: {  	p1 =	seq.s32 s10, $0x1;
	s10 =	sld [smem:$0x3FB9];
	_ =	sdelay $0x3  }
0x37: {  	[smem:$0x3FB9] =	sst s10  }
0x38: {  	s10 =	sld [smem:$0x3FBA]  }
0x39: {  	_ = 	snop;
	(pc) =	sbr.ind lr, $3  }
0x3a: {  	_ = 	snop  }
0x3b: {  	_ = 	snop  }
0x3c: {  	p2 =	seq.s32 s10, $0x1;
	s10 =	sld [smem:$0x3FB9]  }
0x3d: {  	_ =	shalt  }
0x3e: {  	_ =	shalt  }
0x3f: {  	_ =	shalt  }
0x40: {  	_ =	shalt  }
0x41: {  	_ =	shalt  }
0x42: {  	_ =	shalt  }
0x43: {  	_ =	shalt  }
0x44: {  	_ =	shalt  }
0x45: {  	_ =	shalt  }
0x46: {  	_ =	shalt  }
0x47: {  	_ =	shalt  }
0x48: {  	_ =	shalt  }
0x49: {  	_ =	shalt  }
0x4a: {  	_ =	shalt  }
0x4b: {  	_ =	shalt  }
0x4c: {  	_ =	shalt  }
0x4d: {  	_ =	shalt  }
0x4e: {  	_ =	shalt  }
0x4f: {  	_ =	shalt  }
0x50: {  	_ =	shalt  }
0x51: {  	_ =	shalt  }
0x52: {  	_ =	shalt  }
0x53: {  	_ =	shalt  }
0x54: {  	_ =	shalt  }
0x55: {  	_ =	shalt  }
0x56: {  	_ =	shalt  }
0x57: {  	_ =	shalt  }
0x58: {  	_ =	shalt  }
0x59: {  	_ =	shalt  }
0x5a: {  	_ =	shalt  }
0x5b: {  	_ =	shalt  }
0x5c: {  	_ =	shalt  }
0x5d: {  	_ =	shalt  }
0x5e: {  	_ =	shalt  }
0x5f: {  	_ =	shalt  }
0x60: {  	_ =	shalt  }
0x61: {  	_ =	shalt  }
0x62: {  	_ =	shalt  }
0x63: {  	_ =	shalt  }
0x64: {  	_ =	shalt  }
0x65: {  	_ =	shalt  }
0x66: {  	_ =	shalt  }
0x67: {  	_ =	shalt  }
0x68: {  	_ =	shalt  }
0x69: {  	_ =	shalt  }
0x6a: {  	_ =	shalt  }
0x6b: {  	_ =	shalt  }
0x6c: {  	_ =	shalt  }
0x6d: {  	_ =	shalt  }
0x6e: {  	_ =	shalt  }
0x6f: {  	_ =	shalt  }
0x70: {  	_ =	shalt  }
0x71: {  	_ =	shalt  }
0x72: {  	_ =	shalt  }
0x73: {  	_ =	shalt  }
0x74: {  	_ =	shalt  }
0x75: {  	_ =	shalt  }
0x76: {  	_ =	shalt  }
0x77: {  	_ =	shalt  }
0x78: {  	_ =	shalt  }
0x79: {  	_ =	shalt  }
0x7a: {  	_ =	shalt  }
0x7b: {  	_ =	shalt  }
0x7c: {  	_ =	shalt  }
0x7d: {  	_ =	shalt  }
0x7e: {  	_ =	shalt  }
0x7f: {  	_ =	shalt  }
0x80: {  	_ =	shalt  }
0x81: {  	_ =	shalt  }
0x82: {  	_ =	shalt  }
0x83: {  	_ =	shalt  }
0x84: {  	_ =	shalt  }
0x85: {  	_ =	shalt  }
0x86: {  	_ =	shalt  }
0x87: {  	_ =	shalt  }
.Lfunc_end0:
.L_simem_size_0:
called_computation_lowered:
.L_overlay_start_0:
0x88: {  	s0 =	sld [smem:$0x3FD9]  }
0x89: {  	s1 =	sld [smem:$0x3FFE];
	_ =	sdelay $0x3  }
0x8a: {  	s0 =	sadd.s32 s1, s0  }
0x8b: {  	[smem:$0x3FC5] =	sst s0  }
0x8c: {  	_ = 	snop  }
0x8d: {  	s0 =	sld [smem:$0x3FC8]  }
0x8e: {  	s16 =	sld [smem:$0x3FC7]  }
0x8f: {  	s2 =	sld [smem:$0x3FD0];
	(tm) =	ssettm $0x1  }
0x90: {  	s3 =	sld [smem:$0x3FFB];
	_ =	sdelay $0x3  }
0x91: {  	_ =	strace s3  }
0x92: {  	s3 =	sld [smem:$0x3FFC];
	_ =	sdelay $0x3  }
0x93: {  	_ =	strace s3  }
0x94: {  	s3 =	sld [smem:$0x3FFD];
	_ =	sdelay $0x3  }
0x95: {  	_ =	strace s3  }
0x96: {  	_ =	strace $0x8FFFFFFF  }
0x97: {  	s17 =	sld [smem:$0x3FDB];
	_ =	sdelay $0x1  }
0x98: {  	s4 =	simm.s32 $_scs_section_size  }
0x99: {  	s5 =	simm.s32 $_size__tile_overlayer_lowered;
	s6 =	simm.s32 $_tile_overlayer_lowered  }
0x9a: {  	s20 =	simm.s32 $0x1BFF;
	s19 =	sshll.u32 s6, $0x1;
	s3 =	sadd.s32 s4, s17  }
0x9b: {  	s7 =	simm.s32 $0x0;
	s18 =	sshll.u32 s5, $0x1;
	s5 =	sadd.s32 s19, s3  }
0x9c: {  	[timem:s7], [sflag:s20] =	dma.local [hbm:s5], s18  }
0x9d: {  	_ =	swait.ge [sflag:s20], s18  }
0x9e: {  	s4 =	ssub.s32 $0x0, s18;
	[sflag:s20] =	ssyncset.done $0x0  }
0x9f: {  	[sflag:s20] =	ssyncadd.s32 s4;
	_ =	sdelay $0x1  }
0xa0: {  	s21 =	simm.s32 $0x1B8B  }
0xa1: {  	_ =	swait.ge [sflag:s21], $0x1  }
0xa2: {  	[sflag:s21] =	ssyncset.done $0x0  }
0xa3: {  	s23 =	simm.s32 $0x1B8E;
	s22 =	sld [smem:$0x3FFE];
	[sflag:s21] =	ssyncadd.s32 $0xFFFFFFFF  }
0xa4: {  	s24 =	simm.s32 $execute0_lowered;
	[smem:$0x3FD2] =	sst s23  }
0xa5: {  	s5 =	sshll.u32 s24, $0x1;
	_ =	strace $0x80000046;
	[dreg:$0x1] =	wrdreg $0xFFFFFFFF  }
0xa6: {  	s25 =	simm.s32 $_size_execute0_lowered;
	s3 =	sadd.s32 s3, s5;
	[dreg:$0x0] =	wrdreg $0x0  }
0xa7: {  	s5 =	sshll.u32 s25, $0x1;
	[dreg:$0x2] =	wrdreg s3  }
0xa8: {  	[dreg:$0x3] =	wrdreg s5  }
0xa9: {  	[dreg:$0x4] =	wrdreg $0xC0  }
0xaa: {  	_ =	task [dreg:s7], $0x5FFFF  }
0xab: {  	[dreg:$0x1] =	wrdreg $0xFFFFFFFF  }
0xac: {  	[dreg:$0x0] =	wrdreg $0x60  }
0xad: {  	[dreg:$0x2] =	wrdreg s2  }
0xae: {  	[dreg:$0x3] =	wrdreg s0  }
0xaf: {  	[dreg:$0x4] =	wrdreg s16  }
0xb0: {  	[dreg:$0x5] =	wrdreg s22  }
0xb1: {  	[dreg:$0x6] =	wrdreg $0x9  }
0xb2: {  	_ =	task.clear_ibuf [dreg:s7], $0x7FFFF;
	_ =	strace $0x90000046  }
0xb3: {  	s26 =	simm.s32 $0x9;
	_ =	strace $0x80000048  }
0xb4: {  	_ =	swait.ge [sflag:s26], $0x1  }
0xb5: {  	[sflag:s26] =	ssyncadd.s32 $0xFFFFFFFF  }
0xb6: {  	_ =	strace $0x90000048  }
0xb7: {  	_ =	sfence  }
0xb8: {  	s28 =	sld [smem:$0x0];
	_ =	sdelay $0x1  }
0xb9: {  	s29 =	srdreg.scid  }
0xba: {  	s30 =	sshll.u32 s29, $0xD;
	s31 =	sshrl.u32 s29, $0x2  }
0xbb: {  	s1 =	sand.u32 $0x1, s29;
	s2 =	sand.u32 $0x4000, s30;
	s0 =	sadd.s32 s31, s28  }
0xbc: {  	s1 =	sor.u32 s2, s1;
	s0 =	sshll.u32 s0, $0x11  }
0xbd: {  	s0 =	sor.u32 s0, s1  }
0xbe: {  	s0 =	sadd.s32 $0x8F2B, s0  }
0xbf: {  	[sflag:s0] =	ssyncadd.remote.s32 $0x1  }
0xc0: {  	_ =	sfence.sel $0xFFFF  }
0xc1: {  	[dreg:$0x0] =	wrdreg $0xFFFFFFFF;
	(pc) =	sbr.abs _section_cstart, $3  }
0xc2: {  	[dreg:$0x1] =	wrdreg $0xFFFFFFFF  }
0xc3: {  	_ =	task.clear_ibuf [dreg:s7], $0x2FFFF;
	_ =	strace $0x9FFFFFFF  }
0xc4: {  	(tm) =	ssettm $0x7FFFFFFF  }
0xc5: {  	_ =	shalt  }
tec
execute0_lowered:
.L_overlay_start_1:
0x0: {  	(tag) =	ssettag $0x1  }
0x1: {  	s1 =	stileid.u32  }
0x2: {  	s4 =	rddreg [dreg:$0x0];
	p0 =	sgt.u32 s1, $0x1  }
.Ltmp0:
0x3: {  	s8 =	rddreg [dreg:$0x1];
	(pc) =	sbr.rel @p0 .LBB2_6-.Ltmp0, $4  }
0x4: {  	s6 =	rddreg [dreg:$0x2]  }
0x5: {  	s2 =	rddreg [dreg:$0x3];
	s3 =	simm.s32 $0x0  }
0x6: {  	[smem:$0x7FF] =	sst s3  }
0x7: {  	s0 =	rddreg [dreg:$0x4];
	_ =	strace $0x80000047  }
0x8: {  	[tilespmem:s3], [sflag:$0x4] =	stream.linear.gather [hbm4b:s4+s3], $0x6, $0x38;
	[tilespmem:$0x5380] =	vst v63  }
0x9: {  	s13 =	simm.s32 $0x4  }
0xa: {  	_ =	swait.ge [sflag:s13], $0x6  }
0xb: {  	[sflag:s13] =	ssyncset.done $0x0  }
0xc: {  	[sflag:s13] =	ssyncadd.s32 $0xFFFFFFFA  }
0xd: {  	v0 =	vld [tilespmem:$0x0];
	_ =	sdelay $0x4  }
0xe: {  	(v2sf) =	vpush v0, $0x1  }
0xf: {  	(v2sf) =	vpush v0, $0x4;
	_ =	sdelay $0x9  }
0x10: {  	(v2sf) =	vpush v0, $0x0;
	_ =	sdelay $0x1  }
0x11: {  	(v2sf) =	vpush v0, $0x3;
	_ =	sdelay $0x1  }
0x12: {  	s4 =	spop (v2sf)  }
0x13: {  	p0 =	seq.s32 s1, $0x0;
	s7 =	spop (v2sf)  }
0x14: {  	s7 =	smov.u32 @p0 s4  }
0x15: {  	s4 =	sand.u32 $0x7F, s7  }
0x16: {  	s5 =	sshra.s32 s7, $0x1F;
	p1 =	slt.s32 s7, $0x1;
	p2 =	sne.s32 s4, $0x0  }
0x17: {  	s14 =	sshrl.u32 s5, $0x19;
	p1 =	por !p1, !p2  }
0x18: {  	s5 =	simm.s32 $0x1;
	s4 =	sadd.s32 s14, s7;
	p1 =	por !p1, !p1  }
0x19: {  	s4 =	sshrl.u32 s4, $0x7;
	s5 =	simm.s32 @!p1 $0x0  }
0x1a: {  	s4 =	ssub.s32 s4, s5  }
0x1b: {  	s10 =	simm.s32 $0x400;
	s9 =	sshll.u32 s4, $0x7  }
0x1c: {  	s11 =	simm.s32 $0x7A1400;
	s4 =	sand.u32 $0x1FFFFF80, s9  }
0x1d: {  	s12 =	simm.s32 $0x2100;
	s5 =	spop (v2sf);
	s4 =	sadd.s32 s8, s4  }
0x1e: {  	[tilespmem:s12], [sflag:$0x2] =	stream.strided.gather [hbm4b:s4+s10], $0x2000, s11, s10, $0x38;
	[tilespmem:$0x5380] =	vst v63  }
0x1f: {  	s4 =	spop (v2sf)  }
0x20: {  	s4 =	smov.u32 @p0 s5  }
0x21: {  	s5 =	sand.u32 $0x7F, s4  }
0x22: {  	s15 =	sshra.s32 s4, $0x1F;
	p3 =	slt.s32 s4, $0x1;
	p4 =	sne.s32 s5, $0x0  }
0x23: {  	s16 =	sshrl.u32 s15, $0x19;
	p1 =	por !p3, !p4  }
0x24: {  	s12 =	simm.s32 $0x1;
	s5 =	sadd.s32 s16, s4;
	p1 =	por !p1, !p1  }
0x25: {  	s5 =	sshrl.u32 s5, $0x7;
	s12 =	simm.s32 @!p1 $0x0  }
0x26: {  	s5 =	ssub.s32 s5, s12  }
0x27: {  	v1 =	vimm.s32 $0x2;
	v2 =	vimm.s32 $0x5;
	s5 =	sshll.u32 s5, $0x7  }
0x28: {  	v1 =	vperm.xlane v0, v1;
	v0 =	vperm.xlane v0, v2;
	s17 =	sand.u32 $0x1FFFFF80, s5  }
0x29: {  	s19 =	simm.s32 $0x100;
	s18 =	sadd.s32 s8, s17  }
0x2a: {  	v0 =	vpsel p0, v1, v0;
	[tilespmem:s19], [sflag:$0x1] =	stream.strided.gather [hbm4b:s18+s10], $0x2000, s11, s10, $0x38;
	[tilespmem:$0x5380] =	vst v63  }
0x2b: {  	[tilespmem:$0x80] =	vst v0  }
0x2c: {  	v0 =	vld.msk [tilespmem:$0x80], $0x1;
	_ =	sdelay $0x4  }
0x2d: {  	v1 =	vshll.u32 v0, $0x5  }
0x2e: {  	v0 =	vand.u32 $0x7, v0;
	v1 =	vand.u32 $0xFFFFFF00, v1  }
0x2f: {  	v2 =	vimm.s32 $0x0;
	v1 =	vor.u32 v0, v1;
	v0 =	vlaneseq.u32  }
0x30: {  	v1 =	vperm.xlane v1, v2;
	v2 =	vmul.u32 $0x8, v0;
	_ =	sdelay $0x1  }
0x31: {  	v1 =	vadd.s32 v2, v1;
	_ =	sdelay $0x1  }
0x32: {  	s20 =	simm.s32 $0x4100;
	s21 =	sadd.s32 $0x800, s6;
	s22 =	simm.s32 $0x4900  }
0x33: {  	s23 =	ssub.s32 s7, s9;
	p0 =	sne.s32 s7, s9;
	s8 =	simm.s32 $0x1  }
0x34: {  	vm0 =	vmmov $0xffff;
	s25 =	simm.s32 $0x2;
	s24 =	sshra.s32 s23, $0x1F;
	s8 =	simm.s32 @!p0 $0x0  }
0x35: {  	[tilespmem:s20], [sflag:$0x3] =	stream.indirect_vreg.gather [hbm4b:s6+s3], $0x80, v1, vm0, $0xb8;
	[tilespmem:$0x5380] =	vst v63  }
0x36: {  	s26 =	sshrl.u32 s24, $0x1C;
	s7 =	sand.u32 $0xF, s7;
	s8 =	sor.u32 s8, s24  }
0x37: {  	[tilespmem:s22], [sflag:$0x3] =	stream.indirect_vreg.gather [hbm4b:s21+s3], $0x80, v1, vm0, $0xb8;
	[tilespmem:$0x5380] =	vst v63  }
0x38: {  	p6 =	sne.s32 s7, $0x0;
	p5 =	sne.s32 s8, $0x1;
	_ =	swait.ge [sflag:s25], $0x2000  }
0x39: {  	s9 =	simm.s32 $0x1;
	p0 =	por !p6, !p5;
	[sflag:s25] =	ssyncset.done $0x0  }
0x3a: {  	s7 =	sadd.s32 s26, s23;
	p0 =	por !p0, !p0;
	v1 =	vimm.f32 $0.0e+00;
	[sflag:s25] =	ssyncadd.s32 $0xFFFFE000  }
0x3b: {  	s7 =	sshrl.u32 s7, $0x4;
	s9 =	simm.s32 @!p0 $0x0;
	[tilespmem:$0x5100] =	vst v1  }
0x3c: {  	s7 =	ssub.s32 s7, s9;
	[tilespmem:$0x5180] =	vst v1  }
0x3d: {  	s7 =	sshll.u32 s7, $0x4;
	[tilespmem:$0x5200] =	vst v1  }
0x3e: {  	s28 =	sadd.s32 $0x2100, s7;
	[tilespmem:$0x5280] =	vst v1  }
0x3f: {  	s6 =	ssub.s32 s23, s7;
	v2 =	vld [tilespmem:s28+$0x0]  }
0x40: {  	v1 =	vmov s6  }
0x41: {  	v1 =	vand.u32 $0xF, v1  }
0x42: {  	v1 =	vbroadcast v1, $0x0  }
0x43: {  	s29 =	sand.u32 $0xF, s3  }
0x44: {  	v3 =	vmov s29;
	v2 =	vperm.xlane v2, v1  }
0x45: {  	s30 =	sand.u32 $0x600, s3;
	vm15 =	veq.s32 v3, v0  }
0x46: {  	s31 =	sshll.u32 s1, $0x1;
	s6 =	sshrl.u32 s30, $0x2;
	v2 =	vnsel vm15, $0x0, v2  }
0x47: {  	s2 =	sadd.s32 s31, s2;
	[tilespmem:s6+$0x5100] =	vst.add.f32.msk $0xffff, v2;
	s6 =	sadd.s32 $0x80, s28  }
0x48: {  	s2 =	sadd.s32 $0x400, s2;
	s8 =	simm.s32 $0x2;
	s7 =	simm.s32 $0x1;
	v2 =	vld [tilespmem:s6+$0x0]  }
.LBB2_2:
0x49: {  	p0 =	sne.s32 s8, $0x3F;
	_ =	sdelay $0x2  }
0x4a: {  	s9 =	sand.u32 $0xF, s7;
	s7 =	smov.u32 s8  }
.Ltmp1:
0x4b: {  	s3 =	sadd.s32 $0x20, s3;
	v3 =	vmov s9;
	v2 =	vperm.xlane v2, v1;
	(pc) =	sbr.rel @p0 .LBB2_2-.Ltmp1, $4  }
0x4c: {  	s9 =	sand.u32 $0x600, s3;
	vm0 =	veq.s32 v3, v0  }
0x4d: {  	s9 =	sshrl.u32 s9, $0x2;
	v2 =	vnsel vm0, $0x0, v2  }
0x4e: {  	s6 =	sadd.s32 $0x80, s6;
	[tilespmem:s9+$0x5100] =	vst.add.f32.msk $0xffff, v2  }
0x4f: {  	s8 =	sadd.s32 $0x1, s8;
	v2 =	vld [tilespmem:s6+$0x0]  }
0x50: {  	_ =	sdelay $0x1  }
0x51: {  	s21 =	ssub.s32 s4, s5;
	p0 =	sne.s32 s4, s5;
	s5 =	simm.s32 $0x1  }
0x52: {  	s6 =	sand.u32 $0xF, s7;
	s22 =	sshra.s32 s21, $0x1F;
	s5 =	simm.s32 @!p0 $0x0  }
0x53: {  	s3 =	sadd.s32 $0x20, s3;
	s23 =	sand.u32 $0xF, s4;
	s5 =	sor.u32 s5, s22;
	v1 =	vperm.xlane v2, v1;
	v2 =	vmov s6  }
0x54: {  	s3 =	sand.u32 $0x600, s3;
	p1 =	sne.s32 s23, $0x0;
	p6 =	sne.s32 s5, $0x1;
	vm0 =	veq.s32 v2, v0  }
0x55: {  	s3 =	sshrl.u32 s3, $0x2;
	s24 =	sshrl.u32 s22, $0x1C;
	p0 =	por !p1, !p6;
	v0 =	vnsel vm0, $0x0, v1  }
0x56: {  	s4 =	simm.s32 $0x1;
	p0 =	por !p0, !p0;
	[tilespmem:s3+$0x5100] =	vst.add.f32.msk $0xffff, v0;
	s3 =	sadd.s32 s24, s21  }
0x57: {  	s4 =	simm.s32 @!p0 $0x0;
	v0 =	vld [tilespmem:$0x5100];
	s3 =	sshrl.u32 s3, $0x4  }
0x58: {  	v2 =	vld [tilespmem:$0x5180];
	s3 =	ssub.s32 s3, s4  }
0x59: {  	s25 =	simm.s32 $0x1;
	v1 =	vld [tilespmem:$0x5200];
	s3 =	sshll.u32 s3, $0x4  }
0x5a: {  	v3 =	vld [tilespmem:$0x5280];
	_ =	swait.ge [sflag:s25], $0x2000;
	s26 =	sadd.s32 $0x100, s3  }
0x5b: {  	[sflag:s25] =	ssyncset.done $0x0;
	v4 =	vmov s26  }
0x5c: {  	s28 =	simm.s32 $0x3;
	[sflag:s25] =	ssyncadd.s32 $0xFFFFE000  }
0x5d: {  	_ =	swait.ge [sflag:s28], $0x1000  }
0x5e: {  	[sflag:s28] =	ssyncset.done $0x0  }
0x5f: {  	s29 =	simm.s32 $0x0;
	[sflag:s28] =	ssyncadd.s32 $0xFFFFF000  }
0x60: {  	s30 =	simm.s32 $0x4120;
	s3 =	ssub.s32 s21, s3;
	v6 =	vld.idx.msk [tilespmem:v4+s29+$0x0 ss:$0x1], $0xffff  }
0x61: {  	v5 =	vmov s3;
	v7 =	vld [tilespmem:s30+$0x10]  }
0x62: {  	v5 =	vand.u32 $0xF, v5;
	v8 =	vld [tilespmem:s30+$0xFFFFFFE0]  }
0x63: {  	v5 =	vbroadcast v5, $0x0;
	v9 =	vld [tilespmem:s30+$0xFFFFFFF0];
	_ =	sdelay $0x1  }
0x64: {  	s31 =	simm.s32 $0x80;
	v12 =	vld [tilespmem:s30+$0x0];
	v6 =	vperm.xlane v6, v5  }
0x65: {  	v10 =	vld.idx.msk [tilespmem:v4+s31+$0x0 ss:$0x1], $0xffff  }
0x66: {  	v11 =	vimm.f32 $0.0e+00;
	s3 =	simm.s32 $0x4160;
	v7 =	vmul.f32 v7, v6  }
0x67: {  	v13 =	vld [tilespmem:s3+$0x10];
	v16 =	vmul.f32 v8, v6;
	v8 =	vimm.f32 $0.0e+00;
	v15 =	vmul.f32 v9, v6  }
0x68: {  	s4 =	simm.s32 $0x400;
	v14 =	vld [tilespmem:s3+$0xFFFFFFE0];
	v9 =	vimm.f32 $0.0e+00;
	v17 =	vmul.f32 v7, v3;
	v7 =	vimm.f32 $0.0e+00  }
.LBB2_4:
0x69: {  	s5 =	sshra.s32 s4, $0x2;
	p0 =	sne.s32 s4, $0x7E00;
	s4 =	sadd.s32 $0x200, s4;
	v18 =	vld [tilespmem:s3+$0xFFFFFFF0];
	v16 =	vmul.f32 v16, v0  }
.Ltmp2:
0x6a: {  	v19 =	vmul.f32 v12, v6;
	v6 =	vperm.xlane v10, v5;
	v10 =	vld.idx.msk [tilespmem:v4+s5+$0x0 ss:$0x1], $0xffff;
	v8 =	vadd.f32 v17, v8;
	(pc) =	sbr.rel @p0 .LBB2_4-.Ltmp2, $4  }
0x6b: {  	v15 =	vmul.f32 v15, v2;
	v12 =	vld [tilespmem:s3+$0x0];
	v11 =	vadd.f32 v16, v11  }
0x6c: {  	s3 =	sadd.s32 $0x40, s3;
	v17 =	vmul.f32 v13, v6;
	v19 =	vmul.f32 v19, v1  }
0x6d: {  	v9 =	vadd.f32 v15, v9;
	v13 =	vld [tilespmem:s3+$0x10];
	v16 =	vmul.f32 v14, v6  }
0x6e: {  	v14 =	vld [tilespmem:s3+$0xFFFFFFE0];
	v15 =	vmul.f32 v18, v6;
	v17 =	vmul.f32 v17, v3;
	v7 =	vadd.f32 v19, v7  }
0x6f: {  	v4 =	vld [tilespmem:s3+$0xFFFFFFF0]  }
0x70: {  	v18 =	vld [tilespmem:s3+$0x0]  }
0x71: {  	v5 =	vperm.xlane v10, v5  }
0x72: {  	v45 =	vmul.f32 v16, v0;
	v51 =	vimm.s32 $0xFEDCBA98;
	v6 =	vmul.f32 v12, v6  }
0x73: {  	v52 =	vimm.s32 $0x76543210;
	v46 =	vmul.f32 v15, v2;
	v13 =	vmul.f32 v13, v5  }
0x74: {  	v8 =	vadd.f32 v17, v8;
	v6 =	vmul.f32 v6, v1;
	v14 =	vmul.f32 v14, v5  }
0x75: {  	v10 =	vadd.f32 v45, v11;
	v4 =	vmul.f32 v4, v5;
	v5 =	vmul.f32 v18, v5  }
0x76: {  	v9 =	vadd.f32 v46, v9;
	v3 =	vmul.f32 v13, v3;
	v47 =	vmul.f32 v14, v0  }
0x77: {  	v49 =	vadd.f32 v6, v7;
	v48 =	vmul.f32 v4, v2;
	v50 =	vmul.f32 v5, v1  }
0x78: {  	v3 =	vadd.f32 v3, v8;
	v5 =	vunpack.c.l.s4.s8 v51;
	v0 =	vadd.f32 v47, v10  }
0x79: {  	v4 =	vunpack.c.l.s4.s8 v52;
	v2 =	vadd.f32 v48, v9;
	v1 =	vadd.f32 v50, v49  }
0x7a: {  	v56 =	vimm.s32 $0xBA98FEDC;
	v57 =	vimm.s32 $0x32107654;
	v53 =	vunpack.c.0.s8.s32 v5  }
0x7b: {  	v54 =	vunpack.c.0.s8.s32 v4;
	v0 =	vadd.f32 v2, v0;
	v1 =	vadd.f32 v3, v1  }
0x7c: {  	v55 =	vand.u32 $0xF, v53;
	v2 =	vunpack.c.l.s4.s8 v56;
	v3 =	vunpack.c.l.s4.s8 v57  }
0x7d: {  	v0 =	vadd.f32 v1, v0;
	v1 =	vcombine.low v55, v54  }
0x7e: {  	v2 =	vunpack.c.0.s8.s32 v2;
	v3 =	vunpack.c.0.s8.s32 v3  }
0x7f: {  	v1 =	vperm.xlane v0, v1  }
0x80: {  	v59 =	vimm.s32 $0xDCFE98BA;
	v60 =	vimm.s32 $0x54761032;
	v58 =	vcombine.low v3, v2  }
0x81: {  	v2 =	vunpack.c.l.s4.s8 v59;
	v3 =	vunpack.c.l.s4.s8 v60;
	v0 =	vadd.f32 v1, v0  }
0x82: {  	v62 =	vimm.s32 $0x67452301  }
0x83: {  	v2 =	vunpack.c.0.s8.s32 v2;
	v3 =	vunpack.c.0.s8.s32 v3;
	v1 =	vperm.xlane v0, v58  }
0x84: {  	v61 =	vimm.s32 $0xEFCDAB89;
	v63 =	vunpack.c.l.s4.s8 v62  }
0x85: {  	v2 =	vcombine.low v3, v2;
	v0 =	vadd.f32 v1, v0;
	v1 =	vunpack.c.l.s4.s8 v61;
	_ =	sdelay $0x1  }
0x86: {  	v3 =	vunpack.c.0.s8.s32 v63;
	v2 =	vperm.xlane v0, v2;
	v1 =	vunpack.c.0.s8.s32 v1;
	_ =	sdelay $0x1  }
0x87: {  	v0 =	vadd.f32 v2, v0;
	v1 =	vcombine.low v3, v1;
	_ =	sdelay $0x1  }
0x88: {  	v1 =	vperm.xlane v0, v1;
	_ =	sdelay $0x1  }
0x89: {  	v0 =	vadd.f32 v1, v0;
	_ =	sdelay $0x1  }
0x8a: {  	s30 =	simm.s32 $0x0;
	s4 =	simm.s32 $0x5300;
	s31 =	simm.s32 $0x4;
	[tilespmem:$0x5300] =	vst v0  }
0x8b: {  	[hbm4b:s2+s30] =	stream.linear.scatter [tilespmem:s4], [sflag:$0x4], $0x10, $0x38;
	[tilespmem:$0x5380] =	vst v63  }
0x8c: {  	_ =	swait.ge [sflag:s31], $0x10  }
0x8d: {  	[sflag:s31] =	ssyncset.done $0x0  }
0x8e: {  	[sflag:s31] =	ssyncadd.s32 $0xFFFFFFF0  }
.LBB2_6:
0x8f: {  	_ =	sfence.sel $0x180000  }
0x90: {  	[bflag:$0x0] =	sbarrier.arrive $0xFFFF  }
0x91: {  	p0 =	sne.s32 s1, $0x0;
	_ =	strace $0x90000047  }
0x92: {  	s0 =	sadd.s32 @!p0 $0x100000, s0;
	[bflag:$0x2] =	sbarrier.arrive $0xFFFF  }
0x93: {  	[sflag:s0] =	ssyncadd.tile.s32 @!p0 $0x1;
	_ =	shalt  }
.Lfunc_end2:
_tile_overlayer_lowered:
.L_overlay_start_2:
0x94: {  	(tag) =	ssettag $0x2  }
0x95: {  	s0 =	rddreg [dreg:$0x0];
	s2 =	stileid.u32  }
0x96: {  	s1 =	rddreg [dreg:$0x1];
	p0 =	sne.s32 s2, $0x0  }
0x97: {  	s3 =	rddreg [dreg:$0x2];
	[bflag:$0x3] =	sbarrier.arrive $0xFFFF;
	s2 =	simm.s32 @!p0 $0x1C04  }
0x98: {  	[timem:s3], [sflag:s2] =	dma.local @!p0 [hbm:s0], s1  }
0x99: {  	s0 =	simm.s32 @!p0 $0x4  }
0x9a: {  	_ =	swait.ge @!p0 [sflag:s0], s1  }
0x9b: {  	s1 =	ssub.s32 @!p0 $0x0, s1;
	[sflag:s0] =	ssyncset.done @!p0 $0x0  }
0x9c: {  	[sflag:s0] =	ssyncadd.s32 @!p0 s1  }
0x9d: {  	[bflag:$0x3] =	sbarrier.arrive $0xFFFF  }
0x9e: {  	_ =	shalt  }

</sc_bundles>
